<compile_context>
chip_gen: v7x
topology: tpu7x:2x2x1
jax: 0.10.2.dev20260603
libtpu: 0.0.44.dev20260713+nightly
codegen_flags: <defaults>
</compile_context>

<pallas_src>
import functools

import jax
import jax.numpy as jnp
from jax import lax
from jax.experimental import pallas as pl
from jax.experimental.pallas import tpu as pltpu
from jax.experimental.pallas import tpu_sc as plsc

D = 32
BM = 1024
NW = 32
IDX_CHUNK = 128


def _argmin_body(x_ref, w_ref, sw_ref, iota_ref, idx_ref, loss_ref):
    i = pl.program_id(0)
    k = w_ref.shape[0]
    xb = x_ref[...]
    m = lax.dot_general(
        xb, w_ref[...], (((1,), (1,)), ((), ())),
        preferred_element_type=jnp.float32)
    sx = jnp.sum(xb * xb, axis=1, keepdims=True)
    d = (sx + sw_ref[...]) - 2.0 * m
    dmin = jnp.min(d, axis=1, keepdims=True)
    cand = jnp.where(d == dmin, iota_ref[...], jnp.float32(k))
    idx = jnp.min(cand, axis=1).astype(jnp.int32)
    idx_ref[0, :, :] = idx.reshape(BM // 128, 128)

    @pl.when(i == 0)
    def _():
        loss_ref[...] = jnp.zeros_like(loss_ref)

    loss_ref[...] += jnp.sum(dmin).reshape(1, 1)


def _argmin_call(flat_x, W, sw, iota_f):
    n = flat_x.shape[0]
    k = W.shape[0]
    nb = n // BM
    return pl.pallas_call(
        _argmin_body,
        grid=(nb,),
        in_specs=[
            pl.BlockSpec((BM, D), lambda i: (i, 0)),
            pl.BlockSpec((k, D), lambda i: (0, 0)),
            pl.BlockSpec((1, k), lambda i: (0, 0)),
            pl.BlockSpec((1, k), lambda i: (0, 0)),
        ],
        out_specs=[
            pl.BlockSpec((1, BM // 128, 128), lambda i: (i, 0, 0)),
            pl.BlockSpec((1, 1), lambda i: (0, 0)),
        ],
        out_shape=[
            jax.ShapeDtypeStruct((nb, BM // 128, 128), jnp.int32),
            jax.ShapeDtypeStruct((1, 1), jnp.float32),
        ],
    )(flat_x, W, sw, iota_f)


def _sc_gather(W, idx2):
    rows_per_w = idx2.shape[0] // NW
    ch = rows_per_w
    bpw = ch * IDX_CHUNK
    mesh = plsc.VectorSubcoreMesh(core_axis_name="c", subcore_axis_name="s")

    @functools.partial(
        pl.kernel,
        out_type=jax.ShapeDtypeStruct((NW, bpw, D), jnp.float32),
        mesh=mesh,
        compiler_params=pltpu.CompilerParams(use_tc_tiling_on_sc=False),
        scratch_types=[
            pltpu.VMEM((ch, IDX_CHUNK), jnp.int32),
            pltpu.VMEM((bpw, D), jnp.float32),
            pltpu.SemaphoreType.DMA,
        ],
    )
    def body(w_hbm, idx_hbm, out_hbm, idx_v, rows_v, sem):
        wid = lax.axis_index("s") * 2 + lax.axis_index("c")
        pltpu.sync_copy(idx_hbm.at[pl.ds(wid * rows_per_w, rows_per_w)], idx_v)
        copies = [
            pltpu.async_copy(
                w_hbm.at[idx_v.at[j]],
                rows_v.at[pl.ds(j * IDX_CHUNK, IDX_CHUNK)],
                sem,
            )
            for j in range(ch)
        ]
        for cp in copies:
            cp.wait()
        pltpu.sync_copy(rows_v, out_hbm.at[wid])

    return body(W, idx2)


def kernel(x, W):
    n = x.shape[0] * x.shape[1]
    k = W.shape[0]
    flat_x = x.reshape(n, D)
    sw = jnp.sum(W ** 2, axis=1).reshape(1, k)
    iota_f = lax.iota(jnp.float32, k).reshape(1, k)

    idx3, loss = _argmin_call(flat_x, W, sw, iota_f)
    out = _sc_gather(W, idx3.reshape(n // IDX_CHUNK, IDX_CHUNK))
    quantized_st = out.reshape(x.shape)
    per_elem = loss[0, 0] / jnp.float32(n * D)
    vq_loss = per_elem + 0.25 * per_elem
    return quantized_st, vq_loss

# --- scband reference (transcript-rebuilt; emitter-appended) ---
"""Pipeline reference for scband-vector-quantizer-78554951844014 (READ-ONLY COPY).

The authoritative reference and input builder live on the scoring server;
editing this copy changes nothing except your own understanding.
"""

import jax, jax.numpy as jnp
import numpy as np

NUM_EMBEDDINGS = 8192
EMBEDDING_DIM = 32


def setup_inputs(seed: int = 0) -> dict:
    key = jax.random.key(seed)
    k1, k2 = jax.random.split(key)
    x = jax.random.normal(k1, (16, 1024, EMBEDDING_DIM), dtype=jnp.float32)
    W = jax.random.uniform(
        k2,
        (NUM_EMBEDDINGS, EMBEDDING_DIM),
        minval=-1.0 / NUM_EMBEDDINGS,
        maxval=1.0 / NUM_EMBEDDINGS,
        dtype=jnp.float32,
    )
    return {"x": x, "W": W}


def reference(x, W):
    K, D = W.shape
    flat_x = x.reshape(-1, D)
    distances = (
        jnp.sum(flat_x ** 2, axis=1, keepdims=True)
        + jnp.sum(W ** 2, axis=1)
        - 2.0 * jnp.matmul(flat_x, W.T)
    )
    encoding_indices = jnp.argmin(distances, axis=1)
    encodings = jax.nn.one_hot(encoding_indices, K, dtype=jnp.float32)
    quantized = jnp.matmul(encodings, W).reshape(x.shape)
    sg = jax.lax.stop_gradient
    commitment_loss = jnp.mean((sg(quantized) - x) ** 2)
    embedding_loss = jnp.mean((quantized - sg(x)) ** 2)
    vq_loss = commitment_loss + 0.25 * embedding_loss
    quantized_st = x + sg(quantized - x)
    return (quantized_st, vq_loss)

if __name__ == "__main__":
    import jax
    _d = setup_inputs()
    print(jax.jit(kernel)(*tuple(_d.values())))

</pallas_src>

<mosaic_0001>
#map = affine_map<(d0, d1) -> (0, 0)>
#map1 = affine_map<(d0, d1) -> (0, 0, 0)>
module attributes {stable_mosaic.version = 14 : i64} {
  func.func @body(%arg0: i32, %arg1: i32, %arg2: memref<8192x32xf32, #tpu.memory_space<hbm>>, %arg3: memref<128x128xi32, #tpu.memory_space<hbm>>, %arg4: memref<32x512x32xf32, #tpu.memory_space<hbm>>, %arg5: memref<4x128xi32, #tpu.memory_space<vmem>>, %arg6: memref<512x32xf32, #tpu.memory_space<vmem>>, %arg7: memref<!tpu.dma_semaphore, #tpu.memory_space<semaphore_mem>>) attributes {dimension_semantics = [#tpu.dimension_semantics<core_parallel>, #tpu.dimension_semantics<subcore_parallel>], iteration_bounds = array<i64: 2, 16>, scalar_prefetch = 0 : i64, scratch_operands = 3 : i64, tpu.core_type = #tpu.core_type<sc_vector_subcore>, window_params = [{transform_indices = #map}, {transform_indices = #map}, {transform_indices = #map1}]} {
    %mul3A = arith.constant 2 : i32
    %mul3A_0 = arith.muli %arg1, %mul3A : i32
    %add3A = arith.addi %mul3A_0, %arg0 : i32
    %mul3A_1 = arith.constant 4 : i32
    %mul3A_2 = arith.muli %add3A, %mul3A_1 : i32
    "tpu.region"() ({
      %run_scoped3A = tpu.sem_alloc : memref<!tpu.dma_semaphore, #tpu.memory_space<semaphore_mem>>
      %dma_start3A_81 = arith.constant 0 : i32
      %dma_start3A_82 = tpu.memref_slice %arg3[%mul3A_2, %dma_start3A_81] : memref<128x128xi32, #tpu.memory_space<hbm>> -> memref<4x128xi32, #tpu.memory_space<hbm>>
      %dma_start3A_83 = arith.constant 0 : i32
      %dma_start3A_84 = tpu.memref_slice %arg3[%mul3A_2, %dma_start3A_83] : memref<128x128xi32, #tpu.memory_space<hbm>> -> memref<4x128xi32, #tpu.memory_space<hbm>>
      tpu.enqueue_dma source(%dma_start3A_84 : memref<4x128xi32, #tpu.memory_space<hbm>>) target(%arg5 : memref<4x128xi32, #tpu.memory_space<vmem>>) target_semaphore(%run_scoped3A : memref<!tpu.dma_semaphore, #tpu.memory_space<semaphore_mem>>)
      %dma_wait3A_85 = arith.constant 0 : i32
      %dma_wait3A_86 = tpu.memref_slice %arg3[%mul3A_2, %dma_wait3A_85] : memref<128x128xi32, #tpu.memory_space<hbm>> -> memref<4x128xi32, #tpu.memory_space<hbm>>
      %dma_wait3A_87 = arith.constant 0 : i32
      %dma_wait3A_88 = tpu.memref_slice %arg3[%mul3A_2, %dma_wait3A_87] : memref<128x128xi32, #tpu.memory_space<hbm>> -> memref<4x128xi32, #tpu.memory_space<hbm>>
      tpu.wait_dma2 semaphore(%run_scoped3A : memref<!tpu.dma_semaphore, #tpu.memory_space<semaphore_mem>>) src(%dma_wait3A_88 : memref<4x128xi32, #tpu.memory_space<hbm>>) dst(%arg5 : memref<4x128xi32, #tpu.memory_space<vmem>>)
      tpu.yield
    }) : () -> ()
    %dma_start3A = arith.constant 0 : i32
    %dma_start3A_3 = arith.constant 0 : i32
    %dma_start3A_4 = arith.constant 0 : i32
    %dma_start3A_5 = tpu.memref_slice %arg6[%dma_start3A_3, %dma_start3A_4] : memref<512x32xf32, #tpu.memory_space<vmem>> -> memref<128x32xf32, #tpu.memory_space<vmem>>
    %dma_start3A_6 = arith.constant 0 : i32
    %dma_start3A_7 = tpu.memref_slice %arg5[%dma_start3A, %dma_start3A_6] : memref<4x128xi32, #tpu.memory_space<vmem>> -> memref<1x128xi32, #tpu.memory_space<vmem>>
    %dma_start3A_8 = tpu.memref_squeeze %dma_start3A_7 : memref<1x128xi32, #tpu.memory_space<vmem>> -> memref<128xi32, #tpu.memory_space<vmem>>
    %dma_start3A_9 = arith.constant 0 : i32
    %dma_start3A_10 = arith.constant 0 : i32
    %dma_start3A_11 = tpu.memref_slice %arg2[%dma_start3A_9, %dma_start3A_10] : memref<8192x32xf32, #tpu.memory_space<hbm>> -> memref<8192x32xf32, #tpu.memory_space<hbm>>
    tpu.enqueue_indirect_dma source(%dma_start3A_11 : memref<8192x32xf32, #tpu.memory_space<hbm>>) target(%dma_start3A_5 : memref<128x32xf32, #tpu.memory_space<vmem>>) offsets(%dma_start3A_8 : memref<128xi32, #tpu.memory_space<vmem>>) semaphore(%arg7 : memref<!tpu.dma_semaphore, #tpu.memory_space<semaphore_mem>>)
    %dma_start3A_12 = arith.constant 1 : i32
    %dma_start3A_13 = arith.constant 128 : i32
    %dma_start3A_14 = arith.constant 0 : i32
    %dma_start3A_15 = tpu.memref_slice %arg6[%dma_start3A_13, %dma_start3A_14] : memref<512x32xf32, #tpu.memory_space<vmem>> -> memref<128x32xf32, #tpu.memory_space<vmem>>
    %dma_start3A_16 = arith.constant 0 : i32
    %dma_start3A_17 = tpu.memref_slice %arg5[%dma_start3A_12, %dma_start3A_16] : memref<4x128xi32, #tpu.memory_space<vmem>> -> memref<1x128xi32, #tpu.memory_space<vmem>>
    %dma_start3A_18 = tpu.memref_squeeze %dma_start3A_17 : memref<1x128xi32, #tpu.memory_space<vmem>> -> memref<128xi32, #tpu.memory_space<vmem>>
    %dma_start3A_19 = arith.constant 0 : i32
    %dma_start3A_20 = arith.constant 0 : i32
    %dma_start3A_21 = tpu.memref_slice %arg2[%dma_start3A_19, %dma_start3A_20] : memref<8192x32xf32, #tpu.memory_space<hbm>> -> memref<8192x32xf32, #tpu.memory_space<hbm>>
    tpu.enqueue_indirect_dma source(%dma_start3A_21 : memref<8192x32xf32, #tpu.memory_space<hbm>>) target(%dma_start3A_15 : memref<128x32xf32, #tpu.memory_space<vmem>>) offsets(%dma_start3A_18 : memref<128xi32, #tpu.memory_space<vmem>>) semaphore(%arg7 : memref<!tpu.dma_semaphore, #tpu.memory_space<semaphore_mem>>)
    %dma_start3A_22 = arith.constant 2 : i32
    %dma_start3A_23 = arith.constant 256 : i32
    %dma_start3A_24 = arith.constant 0 : i32
    %dma_start3A_25 = tpu.memref_slice %arg6[%dma_start3A_23, %dma_start3A_24] : memref<512x32xf32, #tpu.memory_space<vmem>> -> memref<128x32xf32, #tpu.memory_space<vmem>>
    %dma_start3A_26 = arith.constant 0 : i32
    %dma_start3A_27 = tpu.memref_slice %arg5[%dma_start3A_22, %dma_start3A_26] : memref<4x128xi32, #tpu.memory_space<vmem>> -> memref<1x128xi32, #tpu.memory_space<vmem>>
    %dma_start3A_28 = tpu.memref_squeeze %dma_start3A_27 : memref<1x128xi32, #tpu.memory_space<vmem>> -> memref<128xi32, #tpu.memory_space<vmem>>
    %dma_start3A_29 = arith.constant 0 : i32
    %dma_start3A_30 = arith.constant 0 : i32
    %dma_start3A_31 = tpu.memref_slice %arg2[%dma_start3A_29, %dma_start3A_30] : memref<8192x32xf32, #tpu.memory_space<hbm>> -> memref<8192x32xf32, #tpu.memory_space<hbm>>
    tpu.enqueue_indirect_dma source(%dma_start3A_31 : memref<8192x32xf32, #tpu.memory_space<hbm>>) target(%dma_start3A_25 : memref<128x32xf32, #tpu.memory_space<vmem>>) offsets(%dma_start3A_28 : memref<128xi32, #tpu.memory_space<vmem>>) semaphore(%arg7 : memref<!tpu.dma_semaphore, #tpu.memory_space<semaphore_mem>>)
    %dma_start3A_32 = arith.constant 3 : i32
    %dma_start3A_33 = arith.constant 384 : i32
    %dma_start3A_34 = arith.constant 0 : i32
    %dma_start3A_35 = tpu.memref_slice %arg6[%dma_start3A_33, %dma_start3A_34] : memref<512x32xf32, #tpu.memory_space<vmem>> -> memref<128x32xf32, #tpu.memory_space<vmem>>
    %dma_start3A_36 = arith.constant 0 : i32
    %dma_start3A_37 = tpu.memref_slice %arg5[%dma_start3A_32, %dma_start3A_36] : memref<4x128xi32, #tpu.memory_space<vmem>> -> memref<1x128xi32, #tpu.memory_space<vmem>>
    %dma_start3A_38 = tpu.memref_squeeze %dma_start3A_37 : memref<1x128xi32, #tpu.memory_space<vmem>> -> memref<128xi32, #tpu.memory_space<vmem>>
    %dma_start3A_39 = arith.constant 0 : i32
    %dma_start3A_40 = arith.constant 0 : i32
    %dma_start3A_41 = tpu.memref_slice %arg2[%dma_start3A_39, %dma_start3A_40] : memref<8192x32xf32, #tpu.memory_space<hbm>> -> memref<8192x32xf32, #tpu.memory_space<hbm>>
    tpu.enqueue_indirect_dma source(%dma_start3A_41 : memref<8192x32xf32, #tpu.memory_space<hbm>>) target(%dma_start3A_35 : memref<128x32xf32, #tpu.memory_space<vmem>>) offsets(%dma_start3A_38 : memref<128xi32, #tpu.memory_space<vmem>>) semaphore(%arg7 : memref<!tpu.dma_semaphore, #tpu.memory_space<semaphore_mem>>)
    %dma_wait3A = arith.constant 0 : i32
    %dma_wait3A_42 = arith.constant 0 : i32
    %dma_wait3A_43 = arith.constant 0 : i32
    %dma_wait3A_44 = tpu.memref_slice %arg6[%dma_wait3A_42, %dma_wait3A_43] : memref<512x32xf32, #tpu.memory_space<vmem>> -> memref<128x32xf32, #tpu.memory_space<vmem>>
    %dma_wait3A_45 = arith.constant 0 : i32
    %dma_wait3A_46 = tpu.memref_slice %arg5[%dma_wait3A, %dma_wait3A_45] : memref<4x128xi32, #tpu.memory_space<vmem>> -> memref<1x128xi32, #tpu.memory_space<vmem>>
    %dma_wait3A_47 = tpu.memref_squeeze %dma_wait3A_46 : memref<1x128xi32, #tpu.memory_space<vmem>> -> memref<128xi32, #tpu.memory_space<vmem>>
    %dma_wait3A_48 = arith.constant 0 : i32
    %dma_wait3A_49 = arith.constant 0 : i32
    %dma_wait3A_50 = tpu.memref_slice %arg2[%dma_wait3A_48, %dma_wait3A_49] : memref<8192x32xf32, #tpu.memory_space<hbm>> -> memref<8192x32xf32, #tpu.memory_space<hbm>>
    tpu.wait_indirect_dma semaphore(%arg7 : memref<!tpu.dma_semaphore, #tpu.memory_space<semaphore_mem>>) src(%dma_wait3A_50 : memref<8192x32xf32, #tpu.memory_space<hbm>>) dst(%dma_wait3A_44 : memref<128x32xf32, #tpu.memory_space<vmem>>)
    %dma_wait3A_51 = arith.constant 1 : i32
    %dma_wait3A_52 = arith.constant 128 : i32
    %dma_wait3A_53 = arith.constant 0 : i32
    %dma_wait3A_54 = tpu.memref_slice %arg6[%dma_wait3A_52, %dma_wait3A_53] : memref<512x32xf32, #tpu.memory_space<vmem>> -> memref<128x32xf32, #tpu.memory_space<vmem>>
    %dma_wait3A_55 = arith.constant 0 : i32
    %dma_wait3A_56 = tpu.memref_slice %arg5[%dma_wait3A_51, %dma_wait3A_55] : memref<4x128xi32, #tpu.memory_space<vmem>> -> memref<1x128xi32, #tpu.memory_space<vmem>>
    %dma_wait3A_57 = tpu.memref_squeeze %dma_wait3A_56 : memref<1x128xi32, #tpu.memory_space<vmem>> -> memref<128xi32, #tpu.memory_space<vmem>>
    %dma_wait3A_58 = arith.constant 0 : i32
    %dma_wait3A_59 = arith.constant 0 : i32
    %dma_wait3A_60 = tpu.memref_slice %arg2[%dma_wait3A_58, %dma_wait3A_59] : memref<8192x32xf32, #tpu.memory_space<hbm>> -> memref<8192x32xf32, #tpu.memory_space<hbm>>
    tpu.wait_indirect_dma semaphore(%arg7 : memref<!tpu.dma_semaphore, #tpu.memory_space<semaphore_mem>>) src(%dma_wait3A_60 : memref<8192x32xf32, #tpu.memory_space<hbm>>) dst(%dma_wait3A_54 : memref<128x32xf32, #tpu.memory_space<vmem>>)
    %dma_wait3A_61 = arith.constant 2 : i32
    %dma_wait3A_62 = arith.constant 256 : i32
    %dma_wait3A_63 = arith.constant 0 : i32
    %dma_wait3A_64 = tpu.memref_slice %arg6[%dma_wait3A_62, %dma_wait3A_63] : memref<512x32xf32, #tpu.memory_space<vmem>> -> memref<128x32xf32, #tpu.memory_space<vmem>>
    %dma_wait3A_65 = arith.constant 0 : i32
    %dma_wait3A_66 = tpu.memref_slice %arg5[%dma_wait3A_61, %dma_wait3A_65] : memref<4x128xi32, #tpu.memory_space<vmem>> -> memref<1x128xi32, #tpu.memory_space<vmem>>
    %dma_wait3A_67 = tpu.memref_squeeze %dma_wait3A_66 : memref<1x128xi32, #tpu.memory_space<vmem>> -> memref<128xi32, #tpu.memory_space<vmem>>
    %dma_wait3A_68 = arith.constant 0 : i32
    %dma_wait3A_69 = arith.constant 0 : i32
    %dma_wait3A_70 = tpu.memref_slice %arg2[%dma_wait3A_68, %dma_wait3A_69] : memref<8192x32xf32, #tpu.memory_space<hbm>> -> memref<8192x32xf32, #tpu.memory_space<hbm>>
    tpu.wait_indirect_dma semaphore(%arg7 : memref<!tpu.dma_semaphore, #tpu.memory_space<semaphore_mem>>) src(%dma_wait3A_70 : memref<8192x32xf32, #tpu.memory_space<hbm>>) dst(%dma_wait3A_64 : memref<128x32xf32, #tpu.memory_space<vmem>>)
    %dma_wait3A_71 = arith.constant 3 : i32
    %dma_wait3A_72 = arith.constant 384 : i32
    %dma_wait3A_73 = arith.constant 0 : i32
    %dma_wait3A_74 = tpu.memref_slice %arg6[%dma_wait3A_72, %dma_wait3A_73] : memref<512x32xf32, #tpu.memory_space<vmem>> -> memref<128x32xf32, #tpu.memory_space<vmem>>
    %dma_wait3A_75 = arith.constant 0 : i32
    %dma_wait3A_76 = tpu.memref_slice %arg5[%dma_wait3A_71, %dma_wait3A_75] : memref<4x128xi32, #tpu.memory_space<vmem>> -> memref<1x128xi32, #tpu.memory_space<vmem>>
    %dma_wait3A_77 = tpu.memref_squeeze %dma_wait3A_76 : memref<1x128xi32, #tpu.memory_space<vmem>> -> memref<128xi32, #tpu.memory_space<vmem>>
    %dma_wait3A_78 = arith.constant 0 : i32
    %dma_wait3A_79 = arith.constant 0 : i32
    %dma_wait3A_80 = tpu.memref_slice %arg2[%dma_wait3A_78, %dma_wait3A_79] : memref<8192x32xf32, #tpu.memory_space<hbm>> -> memref<8192x32xf32, #tpu.memory_space<hbm>>
    tpu.wait_indirect_dma semaphore(%arg7 : memref<!tpu.dma_semaphore, #tpu.memory_space<semaphore_mem>>) src(%dma_wait3A_80 : memref<8192x32xf32, #tpu.memory_space<hbm>>) dst(%dma_wait3A_74 : memref<128x32xf32, #tpu.memory_space<vmem>>)
    "tpu.region"() ({
      %run_scoped3A = tpu.sem_alloc : memref<!tpu.dma_semaphore, #tpu.memory_space<semaphore_mem>>
      %dma_start3A_81 = arith.constant 0 : i32
      %dma_start3A_82 = arith.constant 0 : i32
      %dma_start3A_83 = tpu.memref_slice %arg4[%add3A, %dma_start3A_81, %dma_start3A_82] : memref<32x512x32xf32, #tpu.memory_space<hbm>> -> memref<1x512x32xf32, #tpu.memory_space<hbm>>
      %dma_start3A_84 = tpu.memref_squeeze %dma_start3A_83 : memref<1x512x32xf32, #tpu.memory_space<hbm>> -> memref<512x32xf32, #tpu.memory_space<hbm>>
      %dma_start3A_85 = arith.constant 0 : i32
      %dma_start3A_86 = arith.constant 0 : i32
      %dma_start3A_87 = tpu.memref_slice %arg4[%add3A, %dma_start3A_85, %dma_start3A_86] : memref<32x512x32xf32, #tpu.memory_space<hbm>> -> memref<1x512x32xf32, #tpu.memory_space<hbm>>
      %dma_start3A_88 = tpu.memref_squeeze %dma_start3A_87 : memref<1x512x32xf32, #tpu.memory_space<hbm>> -> memref<512x32xf32, #tpu.memory_space<hbm>>
      tpu.enqueue_dma source(%arg6 : memref<512x32xf32, #tpu.memory_space<vmem>>) target(%dma_start3A_88 : memref<512x32xf32, #tpu.memory_space<hbm>>) target_semaphore(%run_scoped3A : memref<!tpu.dma_semaphore, #tpu.memory_space<semaphore_mem>>)
      %dma_wait3A_89 = arith.constant 0 : i32
      %dma_wait3A_90 = arith.constant 0 : i32
      %dma_wait3A_91 = tpu.memref_slice %arg4[%add3A, %dma_wait3A_89, %dma_wait3A_90] : memref<32x512x32xf32, #tpu.memory_space<hbm>> -> memref<1x512x32xf32, #tpu.memory_space<hbm>>
      %dma_wait3A_92 = tpu.memref_squeeze %dma_wait3A_91 : memref<1x512x32xf32, #tpu.memory_space<hbm>> -> memref<512x32xf32, #tpu.memory_space<hbm>>
      %dma_wait3A_93 = arith.constant 0 : i32
      %dma_wait3A_94 = arith.constant 0 : i32
      %dma_wait3A_95 = tpu.memref_slice %arg4[%add3A, %dma_wait3A_93, %dma_wait3A_94] : memref<32x512x32xf32, #tpu.memory_space<hbm>> -> memref<1x512x32xf32, #tpu.memory_space<hbm>>
      %dma_wait3A_96 = tpu.memref_squeeze %dma_wait3A_95 : memref<1x512x32xf32, #tpu.memory_space<hbm>> -> memref<512x32xf32, #tpu.memory_space<hbm>>
      tpu.wait_dma2 semaphore(%run_scoped3A : memref<!tpu.dma_semaphore, #tpu.memory_space<semaphore_mem>>) src(%arg6 : memref<512x32xf32, #tpu.memory_space<vmem>>) dst(%dma_wait3A_96 : memref<512x32xf32, #tpu.memory_space<hbm>>)
      tpu.yield
    }) : () -> ()
    return
  }
}

module attributes {stable_mosaic.version = 14 : i64} {
  func.func @_argmin_body(%arg0: i32, %arg1: memref<1024x32xf32, #tpu.memory_space<vmem>>, %arg2: memref<8192x32xf32, #tpu.memory_space<vmem>>, %arg3: memref<1x8192xf32, #tpu.memory_space<vmem>>, %arg4: memref<1x8192xf32, #tpu.memory_space<vmem>>, %arg5: memref<1x8x128xi32, #tpu.memory_space<vmem>>, %arg6: memref<1x1xf32, #tpu.memory_space<vmem>>) attributes {dimension_semantics = [#tpu.dimension_semantics<arbitrary>], iteration_bounds = array<i64: 16>, scalar_prefetch = 0 : i64, scratch_operands = 0 : i64, tpu.core_type = #tpu.core_type<tc>, window_params = [{transform_indices = @transform_0, window_bounds = array<i64: 1024, 32>}, {pipeline_mode = #tpu.pipeline_mode<synchronous>, transform_indices = @transform_1, window_bounds = array<i64: 8192, 32>}, {pipeline_mode = #tpu.pipeline_mode<synchronous>, transform_indices = @transform_2, window_bounds = array<i64: 1, 8192>}, {pipeline_mode = #tpu.pipeline_mode<synchronous>, transform_indices = @transform_3, window_bounds = array<i64: 1, 8192>}, {transform_indices = @transform_4, window_bounds = array<i64: 1, 8, 128>}, {pipeline_mode = #tpu.pipeline_mode<synchronous>, transform_indices = @transform_5, window_bounds = array<i64: 1, 1>}]} {
    %get3A = arith.constant 0 : index
    %get3A_0 = arith.constant 0 : index
    %get3A_1 = vector.load %arg1[%get3A, %get3A_0] : memref<1024x32xf32, #tpu.memory_space<vmem>>, vector<1024x32xf32>
    %get3A_2 = arith.constant 0 : index
    %get3A_3 = arith.constant 0 : index
    %get3A_4 = vector.load %arg2[%get3A_2, %get3A_3] : memref<8192x32xf32, #tpu.memory_space<vmem>>, vector<8192x32xf32>
    %dot_general3A = arith.constant dense<0.000000e+00> : vector<1024x8192xf32>
    %dot_general3A_5 = tpu.matmul %get3A_1, %get3A_4, %dot_general3A {dimension_numbers = #tpu.dot_dimension_numbers<[1], [1], [0], [0], [0, 0, 1, 0], [], []>, transpose_lhs_hint = false} : vector<1024x32xf32>, vector<8192x32xf32>, vector<1024x8192xf32> -> vector<1024x8192xf32>
    %mul3A = arith.mulf %get3A_1, %get3A_1 : vector<1024x32xf32>
    %reduce_sum3A = arith.constant dense<0.000000e+00> : vector<1024xf32>
    %reduce_sum3A_6 = vector.multi_reduction <add>, %mul3A, %reduce_sum3A [1] : vector<1024x32xf32> to vector<1024xf32>
    %broadcast_in_dim3A = vector.shape_cast %reduce_sum3A_6 : vector<1024xf32> to vector<1024x1xf32>
    %get3A_7 = arith.constant 0 : index
    %get3A_8 = arith.constant 0 : index
    %get3A_9 = vector.load %arg3[%get3A_7, %get3A_8] : memref<1x8192xf32, #tpu.memory_space<vmem>>, vector<1x8192xf32>
    %add3A = vector.broadcast %broadcast_in_dim3A : vector<1024x1xf32> to vector<1024x8192xf32>
    %add3A_10 = vector.broadcast %get3A_9 : vector<1x8192xf32> to vector<1024x8192xf32>
    %add3A_11 = arith.addf %add3A, %add3A_10 : vector<1024x8192xf32>
    %mul3A_12 = arith.constant 2.000000e+00 : f32
    %mul3A_13 = vector.broadcast %mul3A_12 : f32 to vector<1024x8192xf32>
    %mul3A_14 = arith.mulf %mul3A_13, %dot_general3A_5 : vector<1024x8192xf32>
    %sub3A = arith.subf %add3A_11, %mul3A_14 : vector<1024x8192xf32>
    %reduce_min3A = arith.constant dense<0x7F800000> : vector<1024xf32>
    %reduce_min3A_15 = vector.multi_reduction <minimumf>, %sub3A, %reduce_min3A [1] : vector<1024x8192xf32> to vector<1024xf32>
    %broadcast_in_dim3A_16 = vector.shape_cast %reduce_min3A_15 : vector<1024xf32> to vector<1024x1xf32>
    %eq3A = vector.broadcast %broadcast_in_dim3A_16 : vector<1024x1xf32> to vector<1024x8192xf32>
    %eq3A_17 = arith.cmpf oeq, %sub3A, %eq3A : vector<1024x8192xf32>
    %get3A_18 = arith.constant 0 : index
    %get3A_19 = arith.constant 0 : index
    %get3A_20 = vector.load %arg4[%get3A_18, %get3A_19] : memref<1x8192xf32, #tpu.memory_space<vmem>>, vector<1x8192xf32>
    %jit3A = arith.constant 8.192000e+03 : f32
    %broadcast_in_dim3A_21 = vector.shape_cast %get3A_20 : vector<1x8192xf32> to vector<1x8192xf32>
    %broadcast_in_dim3A_22 = vector.broadcast %broadcast_in_dim3A_21 : vector<1x8192xf32> to vector<1024x8192xf32>
    %broadcast_in_dim3A_23 = vector.broadcast %jit3A : f32 to vector<1024x8192xf32>
    %select_n3A = arith.select %eq3A_17, %broadcast_in_dim3A_22, %broadcast_in_dim3A_23 : vector<1024x8192xi1>, vector<1024x8192xf32>
    %reduce_min3A_24 = arith.constant dense<0x7F800000> : vector<1024xf32>
    %reduce_min3A_25 = vector.multi_reduction <minimumf>, %select_n3A, %reduce_min3A_24 [1] : vector<1024x8192xf32> to vector<1024xf32>
    %convert_element_type3A = arith.fptosi %reduce_min3A_25 : vector<1024xf32> to vector<1024xi32>
    %reshape3A = vector.shape_cast %convert_element_type3A : vector<1024xi32> to vector<8x128xi32>
    %swap3A = arith.constant 0 : index
    %swap3A_26 = arith.constant 0 : index
    %swap3A_27 = arith.constant 0 : index
    %swap3A_28 = vector.load %arg5[%swap3A, %swap3A_26, %swap3A_27] : memref<1x8x128xi32, #tpu.memory_space<vmem>>, vector<1x8x128xi32>
    %swap3A_29 = vector.shape_cast %swap3A_28 : vector<1x8x128xi32> to vector<8x128xi32>
    %swap3A_30 = vector.shape_cast %reshape3A : vector<8x128xi32> to vector<1x8x128xi32>
    tpu.vector_store %arg5[%swap3A, %swap3A_26, %swap3A_27], %swap3A_30 {strides = array<i32>} : memref<1x8x128xi32, #tpu.memory_space<vmem>>, vector<1x8x128xi32>,
    %eq3A_31 = arith.constant 0 : i32
    %eq3A_32 = arith.cmpi eq, %arg0, %eq3A_31 : i32
    %convert_element_type3A_33 = arith.extui %eq3A_32 : i1 to i32
    %cond3A = arith.constant 0 : i32
    %cond3A_34 = arith.cmpi ne, %convert_element_type3A_33, %cond3A : i32
    scf.if %cond3A_34 {
      %broadcast_in_dim3A_48 = arith.constant 0.000000e+00 : f32
      %broadcast_in_dim3A_49 = vector.broadcast %broadcast_in_dim3A_48 : f32 to vector<1x1xf32>
      %swap3A_50 = arith.constant 0 : index
      %swap3A_51 = arith.constant 0 : index
      %swap3A_52 = vector.load %arg6[%swap3A_50, %swap3A_51] : memref<1x1xf32, #tpu.memory_space<vmem>>, vector<1x1xf32>
      tpu.vector_store %arg6[%swap3A_50, %swap3A_51], %broadcast_in_dim3A_49 {strides = array<i32>} : memref<1x1xf32, #tpu.memory_space<vmem>>, vector<1x1xf32>,
    } else {
    }
    %get3A_35 = arith.constant 0 : index
    %get3A_36 = arith.constant 0 : index
    %get3A_37 = vector.load %arg6[%get3A_35, %get3A_36] : memref<1x1xf32, #tpu.memory_space<vmem>>, vector<1x1xf32>
    %reduce_sum3A_38 = vector.shape_cast %broadcast_in_dim3A_16 : vector<1024x1xf32> to vector<1x1024x1xf32>
    %reduce_sum3A_39 = arith.constant dense<0.000000e+00> : vector<1xf32>
    %reduce_sum3A_40 = vector.multi_reduction <add>, %reduce_sum3A_38, %reduce_sum3A_39 [1, 2] : vector<1x1024x1xf32> to vector<1xf32>
    %reduce_sum3A_41 = vector.shape_cast %reduce_sum3A_40 : vector<1xf32> to vector<1x1x1xf32>
    %reduce_sum3A_42 = vector.extract %reduce_sum3A_41[0, 0, 0] : f32 from vector<1x1x1xf32>
    %reshape3A_43 = vector.broadcast %reduce_sum3A_42 : f32 to vector<1x1xf32>
    %add3A_44 = arith.addf %get3A_37, %reshape3A_43 : vector<1x1xf32>
    %swap3A_45 = arith.constant 0 : index
    %swap3A_46 = arith.constant 0 : index
    %swap3A_47 = vector.load %arg6[%swap3A_45, %swap3A_46] : memref<1x1xf32, #tpu.memory_space<vmem>>, vector<1x1xf32>
    tpu.vector_store %arg6[%swap3A_45, %swap3A_46], %add3A_44 {strides = array<i32>} : memref<1x1xf32, #tpu.memory_space<vmem>>, vector<1x1xf32>,
    return
  }
  func.func @transform_0(%arg0: i32) -> (i32, i32) {
    %c0_i32 = arith.constant 0 : i32
    %c0_i32_0 = arith.constant 0 : i32
    return %arg0, %c0_i32 : i32, i32
  }
  func.func @transform_1(%arg0: i32) -> (i32, i32) {
    %c0_i32 = arith.constant 0 : i32
    %c0_i32_0 = arith.constant 0 : i32
    %c0_i32_1 = arith.constant 0 : i32
    return %c0_i32, %c0_i32_0 : i32, i32
  }
  func.func @transform_2(%arg0: i32) -> (i32, i32) {
    %c0_i32 = arith.constant 0 : i32
    %c0_i32_0 = arith.constant 0 : i32
    %c0_i32_1 = arith.constant 0 : i32
    return %c0_i32, %c0_i32_0 : i32, i32
  }
  func.func @transform_3(%arg0: i32) -> (i32, i32) {
    %c0_i32 = arith.constant 0 : i32
    %c0_i32_0 = arith.constant 0 : i32
    %c0_i32_1 = arith.constant 0 : i32
    return %c0_i32, %c0_i32_0 : i32, i32
  }
  func.func @transform_4(%arg0: i32) -> (i32, i32, i32) {
    %c0_i32 = arith.constant 0 : i32
    %c0_i32_0 = arith.constant 0 : i32
    %c0_i32_1 = arith.constant 0 : i32
    return %arg0, %c0_i32, %c0_i32_0 : i32, i32, i32
  }
  func.func @transform_5(%arg0: i32) -> (i32, i32) {
    %c0_i32 = arith.constant 0 : i32
    %c0_i32_0 = arith.constant 0 : i32
    %c0_i32_1 = arith.constant 0 : i32
    return %c0_i32, %c0_i32_0 : i32, i32
  }
}

</mosaic_0001>

<sc_bundles>
// kernel: kernel.4.cloned.1.call-start
scs
__scs_entry_jumppad:
0x0: {  	(pc) =	sbr.rel $0x88, $3  }
0x1: {  	(tag) =	ssettag $0x0;
	lr =	simm.s32 $0x1  }
0x2: {  	[smem:$0x3F9F] =	sst lr;
	_ =	strace $0xD0000000  }
0x3: {  	_ = 	snop  }
0x4: {  	_ = 	snop  }
0x5: {  	_ = 	snop  }
0x6: {  	_ = 	snop  }
0x7: {  	_ = 	snop  }
__scs_overlays_trampoline_lowered:
0x8: {  	[smem:$0x3FAE] =	sst s0  }
0x9: {  	[smem:$0x3FAF] =	sst s1  }
0xa: {  	[smem:$0x3FB0] =	sst s2  }
0xb: {  	[smem:$0x3FB1] =	sst s3  }
0xc: {  	[smem:$0x3FB2] =	sst s4  }
0xd: {  	[smem:$0x3FB3] =	sst s5  }
0xe: {  	[smem:$0x3FB4] =	sst s6  }
0xf: {  	[smem:$0x3FB5] =	sst s7  }
0x10: {  	[smem:$0x3FB6] =	sst s8  }
0x11: {  	[smem:$0x3FB7] =	sst s9;
	s0 =	simm.s32 @!p0 $0x0  }
0x12: {  	s1 =	sld [smem:$0x3F9D];
	s0 =	simm.s32 @p0 $0x1  }
0x13: {  	[smem:$0x3FB8] =	sst s0;
	s0 =	simm.s32 @!p1 $0x0  }
0x14: {  	s2 =	sld [smem:$0x3F9C];
	s0 =	simm.s32 @p1 $0x1  }
0x15: {  	[smem:$0x3FB9] =	sst s0;
	s0 =	simm.s32 @!p2 $0x0  }
0x16: {  	s3 =	sld [smem:$0x3FDB];
	s0 =	simm.s32 @p2 $0x1  }
0x17: {  	s4 =	simm.s32 $0x1BF5;
	[smem:$0x3FBB] =	sst s0  }
0x18: {  	s0 =	sld [smem:$0x3F9E];
	_ =	swait.ge [sflag:s4], $0x0  }
0x19: {  	s7 =	sld [smem:$0x3F9F]  }
0x1a: {  	s8 =	sadd.s32 $0xFFFFE003, lr  }
0x1b: {  	s9 =	sadd.s32 $0xFFFFFEF7, lr;
	s5 =	simm.s32 $0xFFFFFFFF;
	p2 =	slt.u32 s8, $0xFFFFF086  }
0x1c: {  	p1 =	slt.u32 s9, $0xF7A;
	s5 =	simm.s32 @!p2 $0x0  }
0x1d: {  	s5 =	simm.s32 @p1 $0x1;
	p0 =	seq.s32 s7, s2  }
0x1e: {  	s7 =	smul.u32 @!p0 $0xF7A, s2;
	p2 =	seq.s32 @!p0 s5, $0x0  }
0x1f: {  	s9 =	smul.u32 $0xF7A, s1;
	s8 =	simm.s32 @!p0 $0x1BF5;
	p2 =	por !p2, p0  }
0x20: {  	[sflag:s8] =	ssyncset.s32 @!p0 $0xFFFFF086;
	s6 =	sadd.s32 @!p0 s3, s7;
	s7 =	simm.s32 @!p0 $0x108  }
0x21: {  	s3 =	sadd.s32 s3, s9;
	s6 =	sadd.s32 @!p0 $0x88, s6;
	s7 =	simm.s32 @p2 $0x1082  }
0x22: {  	[simem:s7], [sflag:s8] =	dma.local @!p0 [hbm:s6], $0xF7A  }
0x23: {  	s9 =	sor.u32 $0xD0000000, s2;
	s6 =	simm.s32 $0x108;
	_ =	swait.ge @!p0 [sflag:s8], $0x0  }
0x24: {  	s3 =	sadd.s32 $0x88, s3;
	s6 =	simm.s32 @!p1 $0x1082;
	[sflag:s4] =	ssyncset.s32 $0xFFFFF086  }
0x25: {  	[simem:s6], [sflag:s4] =	dma.local [hbm:s3], $0xF7A  }
0x26: {  	[smem:$0x3F9F] =	sst s1;
	(tag) =	ssettag s2;
	_ =	strace s9  }
0x27: {  	s1 =	sld [smem:$0x3FAF]  }
0x28: {  	s2 =	sld [smem:$0x3FB0]  }
0x29: {  	s4 =	sld [smem:$0x3FB2]  }
0x2a: {  	p0 =	seq.s32 s5, $0x0;
	s5 =	sld [smem:$0x3FB3]  }
0x2b: {  	s6 =	sld [smem:$0x3FB4]  }
0x2c: {  	s7 =	sld [smem:$0x3FB5]  }
0x2d: {  	s3 =	simm.s32 $0x108;
	s8 =	sld [smem:$0x3FB6]  }
0x2e: {  	s3 =	simm.s32 @!p0 $0x1082;
	s9 =	sld [smem:$0x3FB7]  }
0x2f: {  	lr =	sadd.s32 s0, s3;
	s0 =	sld [smem:$0x3FAE]  }
0x30: {  	s3 =	sld [smem:$0x3FB1]  }
0x31: {  	[smem:$0x3FBA] =	sst s10  }
0x32: {  	s10 =	sld [smem:$0x3FB8];
	_ =	sdelay $0x3  }
0x33: {  	p0 =	seq.s32 s10, $0x1;
	s10 =	sld [smem:$0x3FBA];
	_ =	sdelay $0x3  }
0x34: {  	[smem:$0x3FBA] =	sst s10  }
0x35: {  	s10 =	sld [smem:$0x3FB9];
	_ =	sdelay $0x3  }
0x36: {  	p1 =	seq.s32 s10, $0x1;
	s10 =	sld [smem:$0x3FBA];
	_ =	sdelay $0x3  }
0x37: {  	[smem:$0x3FBA] =	sst s10  }
0x38: {  	s10 =	sld [smem:$0x3FBB]  }
0x39: {  	_ = 	snop;
	(pc) =	sbr.ind lr, $3  }
0x3a: {  	_ = 	snop  }
0x3b: {  	_ = 	snop  }
0x3c: {  	p2 =	seq.s32 s10, $0x1;
	s10 =	sld [smem:$0x3FBA]  }
0x3d: {  	_ =	shalt  }
0x3e: {  	_ =	shalt  }
0x3f: {  	_ =	shalt  }
0x40: {  	_ =	shalt  }
0x41: {  	_ =	shalt  }
0x42: {  	_ =	shalt  }
0x43: {  	_ =	shalt  }
0x44: {  	_ =	shalt  }
0x45: {  	_ =	shalt  }
0x46: {  	_ =	shalt  }
0x47: {  	_ =	shalt  }
0x48: {  	_ =	shalt  }
0x49: {  	_ =	shalt  }
0x4a: {  	_ =	shalt  }
0x4b: {  	_ =	shalt  }
0x4c: {  	_ =	shalt  }
0x4d: {  	_ =	shalt  }
0x4e: {  	_ =	shalt  }
0x4f: {  	_ =	shalt  }
0x50: {  	_ =	shalt  }
0x51: {  	_ =	shalt  }
0x52: {  	_ =	shalt  }
0x53: {  	_ =	shalt  }
0x54: {  	_ =	shalt  }
0x55: {  	_ =	shalt  }
0x56: {  	_ =	shalt  }
0x57: {  	_ =	shalt  }
0x58: {  	_ =	shalt  }
0x59: {  	_ =	shalt  }
0x5a: {  	_ =	shalt  }
0x5b: {  	_ =	shalt  }
0x5c: {  	_ =	shalt  }
0x5d: {  	_ =	shalt  }
0x5e: {  	_ =	shalt  }
0x5f: {  	_ =	shalt  }
0x60: {  	_ =	shalt  }
0x61: {  	_ =	shalt  }
0x62: {  	_ =	shalt  }
0x63: {  	_ =	shalt  }
0x64: {  	_ =	shalt  }
0x65: {  	_ =	shalt  }
0x66: {  	_ =	shalt  }
0x67: {  	_ =	shalt  }
0x68: {  	_ =	shalt  }
0x69: {  	_ =	shalt  }
0x6a: {  	_ =	shalt  }
0x6b: {  	_ =	shalt  }
0x6c: {  	_ =	shalt  }
0x6d: {  	_ =	shalt  }
0x6e: {  	_ =	shalt  }
0x6f: {  	_ =	shalt  }
0x70: {  	_ =	shalt  }
0x71: {  	_ =	shalt  }
0x72: {  	_ =	shalt  }
0x73: {  	_ =	shalt  }
0x74: {  	_ =	shalt  }
0x75: {  	_ =	shalt  }
0x76: {  	_ =	shalt  }
0x77: {  	_ =	shalt  }
0x78: {  	_ =	shalt  }
0x79: {  	_ =	shalt  }
0x7a: {  	_ =	shalt  }
0x7b: {  	_ =	shalt  }
0x7c: {  	_ =	shalt  }
0x7d: {  	_ =	shalt  }
0x7e: {  	_ =	shalt  }
0x7f: {  	_ =	shalt  }
0x80: {  	_ =	shalt  }
0x81: {  	_ =	shalt  }
0x82: {  	_ =	shalt  }
0x83: {  	_ =	shalt  }
0x84: {  	_ =	shalt  }
0x85: {  	_ =	shalt  }
0x86: {  	_ =	shalt  }
0x87: {  	_ =	shalt  }
.Lfunc_end0:
.L_simem_size_0:
called_computation_lowered:
.L_overlay_start_0:
0x88: {  	s2 =	sld [smem:$0x3FD9]  }
0x89: {  	s3 =	sld [smem:$0x3FFE];
	_ =	sdelay $0x1  }
0x8a: {  	s1 =	srdreg.scid  }
0x8b: {  	s0 =	sand.u32 $0x1, s1  }
0x8c: {  	s14 =	sshll.u32 s0, $0xA;
	s2 =	sadd.s32 s3, s2  }
0x8d: {  	s2 =	sadd.s32 s2, s14  }
0x8e: {  	[smem:$0x3FC6] =	sst s2  }
0x8f: {  	_ = 	snop  }
0x90: {  	s2 =	sld [smem:$0x3FD0];
	_ =	sdelay $0x2  }
0x91: {  	s15 =	simm.s32 $0xA;
	s4 =	simm.s32 $0x10  }
0x92: {  	[smem:s4], [sflag:s15] =	dma.local [hbm:s2], $0x1  }
0x93: {  	_ =	swait.eq [sflag:s15], $0x1  }
0x94: {  	[sflag:s15] =	ssyncset.done $0x0  }
0x95: {  	[sflag:s15] =	ssyncadd.s32 $0xFFFFFFFF  }
0x96: {  	s16 =	sld [smem:$0x10];
	(tm) =	ssettm $0x1  }
0x97: {  	s17 =	sld [smem:$0x3FFB];
	_ =	sdelay $0x3  }
0x98: {  	_ =	strace s17  }
0x99: {  	s3 =	sld [smem:$0x3FFC];
	_ =	sdelay $0x3  }
0x9a: {  	_ =	strace s3  }
0x9b: {  	s3 =	sld [smem:$0x3FFD];
	_ =	sdelay $0x3  }
0x9c: {  	_ =	strace s3  }
0x9d: {  	_ =	strace $0x8FFFFFFF  }
0x9e: {  	s18 =	sld [smem:$0x3FDB];
	_ =	sdelay $0x1  }
0x9f: {  	s19 =	simm.s32 $_scs_section_size  }
0xa0: {  	s5 =	simm.s32 $_size__tile_overlayer_lowered;
	s6 =	simm.s32 $_tile_overlayer_lowered  }
0xa1: {  	s22 =	simm.s32 $0x1BFF;
	s21 =	sshll.u32 s6, $0x1;
	s3 =	sadd.s32 s19, s18  }
0xa2: {  	s7 =	simm.s32 $0x0;
	s20 =	sshll.u32 s5, $0x1;
	s5 =	sadd.s32 s21, s3  }
0xa3: {  	[timem:s7], [sflag:s22] =	dma.local [hbm:s5], s20  }
0xa4: {  	_ =	swait.ge [sflag:s22], s20  }
0xa5: {  	s4 =	ssub.s32 $0x0, s20;
	[sflag:s22] =	ssyncset.done $0x0  }
0xa6: {  	[sflag:s22] =	ssyncadd.s32 s4;
	_ =	sdelay $0x1  }
0xa7: {  	s23 =	simm.s32 $0x1B8B  }
0xa8: {  	_ =	swait.ge [sflag:s23], $0x1  }
0xa9: {  	[sflag:s23] =	ssyncset.done $0x0  }
0xaa: {  	s25 =	simm.s32 $0x1B8E;
	s24 =	sld [smem:$0x3FFE];
	[sflag:s23] =	ssyncadd.s32 $0xFFFFFFFF  }
0xab: {  	s26 =	simm.s32 $execute0_lowered;
	[smem:$0x3FD2] =	sst s25  }
0xac: {  	s5 =	sshll.u32 s26, $0x1;
	_ =	strace $0x80000046;
	[dreg:$0x1] =	wrdreg $0xFFFFFFFF  }
0xad: {  	s28 =	simm.s32 $_size_execute0_lowered;
	s3 =	sadd.s32 s3, s5;
	[dreg:$0x0] =	wrdreg $0x0  }
0xae: {  	s5 =	sshll.u32 s28, $0x1;
	[dreg:$0x2] =	wrdreg s3  }
0xaf: {  	[dreg:$0x3] =	wrdreg s5  }
0xb0: {  	[dreg:$0x4] =	wrdreg $0xC0  }
0xb1: {  	_ =	task [dreg:s7], $0x5FFFF  }
0xb2: {  	[dreg:$0x1] =	wrdreg $0xFFFFFFFF  }
0xb3: {  	[dreg:$0x0] =	wrdreg $0x60  }
0xb4: {  	[dreg:$0x2] =	wrdreg s24  }
0xb5: {  	[dreg:$0x3] =	wrdreg s16  }
0xb6: {  	[dreg:$0x4] =	wrdreg $0x9  }
0xb7: {  	_ =	task.clear_ibuf [dreg:s7], $0x5FFFF;
	_ =	strace $0x90000046  }
0xb8: {  	s29 =	simm.s32 $0x9;
	_ =	strace $0x80000048  }
0xb9: {  	_ =	swait.ge [sflag:s29], $0x1  }
0xba: {  	[sflag:s29] =	ssyncadd.s32 $0xFFFFFFFF  }
0xbb: {  	_ =	strace $0x90000048  }
0xbc: {  	_ =	sfence  }
0xbd: {  	s30 =	sld [smem:$0x0];
	_ =	sdelay $0x2  }
0xbe: {  	s31 =	sshll.u32 s1, $0xD;
	s1 =	sshrl.u32 s1, $0x2  }
0xbf: {  	s3 =	sand.u32 $0x4000, s31;
	s1 =	sadd.s32 s1, s30  }
0xc0: {  	s0 =	sor.u32 s3, s0;
	s1 =	sshll.u32 s1, $0x11  }
0xc1: {  	s0 =	sor.u32 s1, s0  }
0xc2: {  	s0 =	sadd.s32 $0x8F2B, s0  }
0xc3: {  	[sflag:s0] =	ssyncadd.remote.s32 $0x1  }
0xc4: {  	_ =	sfence.sel $0xFFFF  }
0xc5: {  	[dreg:$0x0] =	wrdreg $0xFFFFFFFF;
	(pc) =	sbr.abs _section_cstart, $3  }
0xc6: {  	[dreg:$0x1] =	wrdreg $0xFFFFFFFF  }
0xc7: {  	_ =	task.clear_ibuf [dreg:s7], $0x2FFFF;
	_ =	strace $0x9FFFFFFF  }
0xc8: {  	(tm) =	ssettm $0x7FFFFFFF  }
0xc9: {  	_ =	shalt  }
tec
execute0_lowered:
.L_overlay_start_1:
0x0: {  	(tag) =	ssettag $0x1  }
0x1: {  	s1 =	srdreg.scid;
	s0 =	stileid.u32  }
0x2: {  	s5 =	rddreg [dreg:$0x0];
	s14 =	sand.u32 $0x1, s1;
	s29 =	sshll.u32 s0, $0x1  }
0x3: {  	s15 =	rddreg [dreg:$0x1];
	s16 =	sor.u32 s14, s29  }
0x4: {  	s2 =	simm.s32 $0x0;
	s1 =	rddreg [dreg:$0x2];
	s3 =	sshll.u32 s16, $0x6  }
0x5: {  	[smem:$0x7FF] =	sst s2;
	s3 =	sadd.s32 s3, s5  }
0x6: {  	_ =	strace $0x80000047;
	s4 =	sadd.s32 $0x8800, s3;
	s3 =	simm.s32 $0x2  }
0x7: {  	[tilespmem:s2], [sflag:$0x2] =	stream.linear.gather [hbm4b:s4+s2], $0x200, $0x38;
	[tilespmem:$0x4200] =	vst v63  }
0x8: {  	_ =	swait.ge [sflag:s3], $0x200  }
0x9: {  	s6 =	simm.s32 $0x80;
	[sflag:s3] =	ssyncset.done $0x0  }
0xa: {  	s7 =	simm.s32 $0x200;
	s5 =	sadd.s32 $0x800, s5;
	[sflag:s3] =	ssyncadd.s32 $0xFFFFFE00  }
0xb: {  	[tilespmem:s7], [sflag:$0x1] =	stream.indirect.gather [hbm4b:s5+s6], $0x20, s2, s6, $0xb8;
	[tilespmem:$0x4200] =	vst v63  }
0xc: {  	s8 =	simm.s32 $0x1200  }
0xd: {  	[tilespmem:s8], [sflag:$0x1] =	stream.indirect.gather [hbm4b:s5+s6], $0x20, s6, s6, $0xb8;
	[tilespmem:$0x4200] =	vst v63  }
0xe: {  	s9 =	simm.s32 $0x100;
	s10 =	simm.s32 $0x2200  }
0xf: {  	[tilespmem:s10], [sflag:$0x1] =	stream.indirect.gather [hbm4b:s5+s6], $0x20, s9, s6, $0xb8;
	[tilespmem:$0x4200] =	vst v63  }
0x10: {  	s11 =	simm.s32 $0x180;
	s12 =	simm.s32 $0x3200;
	s13 =	simm.s32 $0x1  }
0x11: {  	[tilespmem:s12], [sflag:$0x1] =	stream.indirect.gather [hbm4b:s5+s6], $0x20, s11, s6, $0xb8;
	[tilespmem:$0x4200] =	vst v63  }
0x12: {  	_ =	swait.ge [sflag:s13], $0x1000  }
0x13: {  	[sflag:s13] =	ssyncset.done $0x0  }
0x14: {  	[sflag:s13] =	ssyncadd.s32 $0xFFFFF000  }
0x15: {  	_ =	swait.ge [sflag:s13], $0x1000  }
0x16: {  	[sflag:s13] =	ssyncset.done $0x0  }
0x17: {  	s14 =	ssub.s32 $0x2, s14;
	[sflag:s13] =	ssyncadd.s32 $0xFFFFF000  }
0x18: {  	s17 =	sshrl.u32 s14, $0x1;
	_ =	swait.ge [sflag:s13], $0x1000  }
0x19: {  	s17 =	ssub.s32 s14, s17;
	[sflag:s13] =	ssyncset.done $0x0  }
0x1a: {  	s31 =	smax.u32 s17, $0x1;
	[sflag:s13] =	ssyncadd.s32 $0xFFFFF000  }
0x1b: {  	p0 =	sne.s32 s31, $0x1;
	_ =	swait.ge [sflag:s13], $0x1000  }
.Ltmp0:
0x1c: {  	s30 =	sshll.u32 s16, $0xB;
	[sflag:s13] =	ssyncset.done $0x0;
	(pc) =	sbr.rel @!p0 .LBB2_2-.Ltmp0, $4  }
0x1d: {  	s14 =	sadd.s32 s15, s30;
	[sflag:s13] =	ssyncadd.s32 $0xFFFFF000  }
0x1e: {  	[hbm4b:s14+s2] =	stream.linear.scatter [tilespmem:s7], [sflag:$0x2], $0x4000, $0x38;
	[tilespmem:$0x4200] =	vst v63  }
0x1f: {  	_ =	swait.ge [sflag:s3], $0x4000  }
0x20: {  	s15 =	sadd.s32 $0xFFFFFFFF, s31;
	[sflag:s3] =	ssyncset.done $0x0  }
.LBB2_1:
0x21: {  	p0 =	sne.s32 s15, $0x1;
	s15 =	sadd.s32 $0xFFFFFFFF, s15;
	[sflag:s3] =	ssyncadd.s32 $0xFFFFC000  }
0x22: {  	[tilespmem:s2], [sflag:$0x2] =	stream.linear.gather [hbm4b:s4+s2], $0x200, $0x38;
	[tilespmem:$0x4200] =	vst v63  }
0x23: {  	_ =	swait.ge [sflag:s3], $0x200  }
0x24: {  	[sflag:s3] =	ssyncset.done $0x0  }
0x25: {  	[sflag:s3] =	ssyncadd.s32 $0xFFFFFE00  }
0x26: {  	[tilespmem:s7], [sflag:$0x1] =	stream.indirect.gather [hbm4b:s5+s6], $0x20, s2, s6, $0xb8;
	[tilespmem:$0x4200] =	vst v63  }
0x27: {  	_ = 	snop  }
0x28: {  	[tilespmem:s8], [sflag:$0x1] =	stream.indirect.gather [hbm4b:s5+s6], $0x20, s6, s6, $0xb8;
	[tilespmem:$0x4200] =	vst v63  }
0x29: {  	_ = 	snop  }
0x2a: {  	[tilespmem:s10], [sflag:$0x1] =	stream.indirect.gather [hbm4b:s5+s6], $0x20, s9, s6, $0xb8;
	[tilespmem:$0x4200] =	vst v63  }
0x2b: {  	_ = 	snop  }
0x2c: {  	[tilespmem:s12], [sflag:$0x1] =	stream.indirect.gather [hbm4b:s5+s6], $0x20, s11, s6, $0xb8;
	[tilespmem:$0x4200] =	vst v63  }
0x2d: {  	_ =	swait.ge [sflag:s13], $0x1000  }
0x2e: {  	[sflag:s13] =	ssyncset.done $0x0  }
0x2f: {  	[sflag:s13] =	ssyncadd.s32 $0xFFFFF000  }
0x30: {  	_ =	swait.ge [sflag:s13], $0x1000  }
0x31: {  	[sflag:s13] =	ssyncset.done $0x0  }
0x32: {  	[sflag:s13] =	ssyncadd.s32 $0xFFFFF000  }
0x33: {  	_ =	swait.ge [sflag:s13], $0x1000  }
0x34: {  	[sflag:s13] =	ssyncset.done $0x0  }
0x35: {  	[sflag:s13] =	ssyncadd.s32 $0xFFFFF000  }
0x36: {  	_ =	swait.ge [sflag:s13], $0x1000  }
.Ltmp1:
0x37: {  	[sflag:s13] =	ssyncset.done $0x0;
	(pc) =	sbr.rel @p0 .LBB2_1-.Ltmp1, $4  }
0x38: {  	[sflag:s13] =	ssyncadd.s32 $0xFFFFF000  }
0x39: {  	[hbm4b:s14+s2] =	stream.linear.scatter [tilespmem:s7], [sflag:$0x2], $0x4000, $0x38;
	[tilespmem:$0x4200] =	vst v63  }
0x3a: {  	_ =	swait.ge [sflag:s3], $0x4000  }
0x3b: {  	[sflag:s3] =	ssyncset.done $0x0  }
.LBB2_2:
0x3c: {  	[sflag:s3] =	ssyncadd.s32 $0xFFFFC000  }
0x3d: {  	_ =	sfence.sel $0x180000  }
0x3e: {  	[bflag:$0x0] =	sbarrier.arrive $0xFFFF  }
0x3f: {  	p0 =	sne.s32 s0, $0x0;
	_ =	strace $0x90000047  }
0x40: {  	s0 =	sadd.s32 @!p0 $0x100000, s1;
	[bflag:$0x2] =	sbarrier.arrive $0xFFFF  }
0x41: {  	[sflag:s0] =	ssyncadd.tile.s32 @!p0 $0x1;
	_ =	shalt  }
.Lfunc_end2:
_tile_overlayer_lowered:
.L_overlay_start_2:
0x42: {  	(tag) =	ssettag $0x2  }
0x43: {  	s0 =	rddreg [dreg:$0x0];
	s2 =	stileid.u32  }
0x44: {  	s1 =	rddreg [dreg:$0x1];
	p0 =	sne.s32 s2, $0x0  }
0x45: {  	s3 =	rddreg [dreg:$0x2];
	[bflag:$0x3] =	sbarrier.arrive $0xFFFF;
	s2 =	simm.s32 @!p0 $0x1C02  }
0x46: {  	[timem:s3], [sflag:s2] =	dma.local @!p0 [hbm:s0], s1  }
0x47: {  	s0 =	simm.s32 @!p0 $0x2  }
0x48: {  	_ =	swait.ge @!p0 [sflag:s0], s1  }
0x49: {  	s1 =	ssub.s32 @!p0 $0x0, s1;
	[sflag:s0] =	ssyncset.done @!p0 $0x0  }
0x4a: {  	[sflag:s0] =	ssyncadd.s32 @!p0 s1  }
0x4b: {  	[bflag:$0x3] =	sbarrier.arrive $0xFFFF  }
0x4c: {  	_ =	shalt  }

</sc_bundles>
